<compile_context>
chip_gen: v7x
topology: tpu7x:2x2x1
jax: 0.10.2.dev20260603
libtpu: 0.0.44.dev20260713+nightly
codegen_flags: <defaults>
</compile_context>

<pallas_src>
import functools
import jax
import jax.numpy as jnp
from jax import lax
from jax.experimental import pallas as pl
from jax.experimental.pallas import tpu as pltpu
from jax.experimental.pallas import tpu_sc as plsc

_NC = 2
_NS = 16
_NW = _NC * _NS
_C = 80
_NBUF = 4


def _gather_call(x, idx):
    E = idx.shape[0]
    N = x.shape[0]
    D = x.shape[1]
    b_per_w = E // _NW
    n_per_s = N // _NS
    C = _C
    nbuf = _NBUF
    n_chunks = b_per_w // C
    n_groups = -(-n_chunks // nbuf)

    mesh = plsc.VectorSubcoreMesh(core_axis_name="c", subcore_axis_name="s")

    @functools.partial(
        pl.kernel,
        out_type=jax.ShapeDtypeStruct((E, D), jnp.float32),
        mesh=mesh,
        scratch_types=(
            [pltpu.VMEM_SHARED((N, D), jnp.float32),
             pltpu.VMEM((b_per_w,), jnp.int32)]
            + [pltpu.VMEM((C, D), jnp.float32) for _ in range(nbuf)]
            + [pltpu.SemaphoreType.DMA for _ in range(2 * nbuf + 2)]
        ),
    )
    def gather_kernel(x_hbm, idx_hbm, out_hbm, table_s, idx_v, *bufs):
        rows_b = bufs[:nbuf]
        gsem = bufs[nbuf:2 * nbuf]
        wsem = bufs[2 * nbuf:3 * nbuf]
        t_sem, i_sem = bufs[3 * nbuf:]
        sid = lax.axis_index("s")
        wid = sid * _NC + lax.axis_index("c")
        wbase = wid * b_per_w

        n_al = (N // _NS) // 8 * 8
        tail = N - _NS * n_al
        lo_t = pl.multiple_of(sid * n_al, 8)
        lo_tail = pl.multiple_of(_NS * n_al, 8)
        idx_lo = pl.multiple_of(wbase, 8)
        pltpu.async_copy(x_hbm.at[pl.ds(lo_t, n_al)],
                         table_s.at[pl.ds(lo_t, n_al)], t_sem)
        pltpu.async_copy(idx_hbm.at[pl.ds(idx_lo, b_per_w)], idx_v, i_sem)

        @pl.when(sid == 0)
        def _stage_tail():
            pltpu.async_copy(x_hbm.at[pl.ds(lo_tail, tail)],
                             table_s.at[pl.ds(lo_tail, tail)], t_sem)

        pltpu.make_async_copy(x_hbm.at[pl.ds(lo_t, n_al)],
                              table_s.at[pl.ds(lo_t, n_al)], t_sem).wait()
        pltpu.make_async_copy(idx_hbm.at[pl.ds(idx_lo, b_per_w)],
                              idx_v, i_sem).wait()

        @pl.when(sid == 0)
        def _wait_tail():
            pltpu.make_async_copy(x_hbm.at[pl.ds(lo_tail, tail)],
                                  table_s.at[pl.ds(lo_tail, tail)],
                                  t_sem).wait()

        plsc.subcore_barrier()

        def issue_gather(c, b):
            lo = pl.multiple_of(c * C, 8)
            pltpu.async_copy(
                table_s.at[idx_v.at[pl.ds(lo, C)]], rows_b[b], gsem[b])

        def wait_gather(c, b):
            lo = pl.multiple_of(c * C, 8)
            pltpu.make_async_copy(
                table_s.at[idx_v.at[pl.ds(lo, C)]], rows_b[b], gsem[b]).wait()

        def issue_wb(c, b):
            lo = pl.multiple_of(wbase + c * C, 8)
            pltpu.async_copy(rows_b[b], out_hbm.at[pl.ds(lo, C)], wsem[b])

        def wait_wb(c, b):
            lo = pl.multiple_of(wbase + c * C, 8)
            pltpu.make_async_copy(
                rows_b[b], out_hbm.at[pl.ds(lo, C)], wsem[b]).wait()

        for b in range(nbuf):
            if b < n_chunks:
                issue_gather(b, b)

        main_groups = max(0, (n_chunks - nbuf) // nbuf)

        def body(j, carry):
            for b in range(nbuf):
                c = j * nbuf + b
                wait_gather(c, b)
                issue_wb(c, b)
                wait_wb(c, b)
                issue_gather(c + nbuf, b)
            return carry

        lax.fori_loop(0, main_groups, body, 0)

        for c in range(main_groups * nbuf, n_chunks):
            b = c % nbuf
            wait_gather(c, b)
            issue_wb(c, b)
            wait_wb(c, b)
            if c + nbuf < n_chunks:
                issue_gather(c + nbuf, b)

    return gather_kernel(x, idx)


def kernel(x, species, edge_src, edge_dst):
    return _gather_call(x, edge_dst)

# --- scband reference (transcript-rebuilt; emitter-appended) ---
"""Pipeline reference for scband-atom-to-edge-77790447665655 (READ-ONLY COPY).

The authoritative reference and input builder live on the scoring server;
editing this copy changes nothing except your own understanding.
"""

import jax, jax.numpy as jnp
import numpy as np

N_NODES = 10000
N_EDGES = 320000
D_FEAT = 128


def setup_inputs(seed: int = 0) -> dict:
    key = jax.random.key(seed)
    k1, k2, k3, k4 = jax.random.split(key, 4)
    x = jax.random.normal(k1, (N_NODES, D_FEAT), dtype=jnp.float32)
    species = jax.random.randint(k2, (N_NODES,), 0, 100, dtype=jnp.int64 if jax.config.jax_enable_x64 else jnp.int32).astype(jnp.int32)
    edge_src = jax.random.randint(k3, (N_EDGES,), 0, N_NODES).astype(jnp.int32)
    edge_dst = jax.random.randint(k4, (N_EDGES,), 0, N_NODES).astype(jnp.int32)
    return {"x": x, "species": species, "edge_src": edge_src, "edge_dst": edge_dst}


def reference(x, species, edge_src, edge_dst):
    # AtomToEdge forward: gather node (atom) features onto edges.
    # use_source=False -> gather by destination atom index.
    # switch=False -> no switch multiply.
    # Original returns {**inputs, 'x_edge': x_edge}; we return the new
    # edge-wise array (the only computed output).
    nat = species.shape[0]  # used in original for bookkeeping
    x_edge = jnp.take(x, edge_dst, axis=0)
    return x_edge

if __name__ == "__main__":
    import jax
    _d = setup_inputs()
    print(jax.jit(kernel)(*tuple(_d.values())))

</pallas_src>

<mosaic_0001>
#map = affine_map<(d0, d1) -> (0, 0)>
#map1 = affine_map<(d0, d1) -> (0)>
module attributes {stable_mosaic.version = 14 : i64} {
  func.func @gather_kernel(%arg0: i32, %arg1: i32, %arg2: memref<10000x128xf32, #tpu.memory_space<hbm>>, %arg3: memref<320000xi32, #tpu.memory_space<hbm>>, %arg4: memref<320000x128xf32, #tpu.memory_space<hbm>>, %arg5: memref<10000x128xf32, #tpu.memory_space<vmem_shared>>, %arg6: memref<10000xi32, #tpu.memory_space<vmem>>, %arg7: memref<80x128xf32, #tpu.memory_space<vmem>>, %arg8: memref<80x128xf32, #tpu.memory_space<vmem>>, %arg9: memref<80x128xf32, #tpu.memory_space<vmem>>, %arg10: memref<80x128xf32, #tpu.memory_space<vmem>>, %arg11: memref<!tpu.dma_semaphore, #tpu.memory_space<semaphore_mem>>, %arg12: memref<!tpu.dma_semaphore, #tpu.memory_space<semaphore_mem>>, %arg13: memref<!tpu.dma_semaphore, #tpu.memory_space<semaphore_mem>>, %arg14: memref<!tpu.dma_semaphore, #tpu.memory_space<semaphore_mem>>, %arg15: memref<!tpu.dma_semaphore, #tpu.memory_space<semaphore_mem>>, %arg16: memref<!tpu.dma_semaphore, #tpu.memory_space<semaphore_mem>>, %arg17: memref<!tpu.dma_semaphore, #tpu.memory_space<semaphore_mem>>, %arg18: memref<!tpu.dma_semaphore, #tpu.memory_space<semaphore_mem>>, %arg19: memref<!tpu.dma_semaphore, #tpu.memory_space<semaphore_mem>>, %arg20: memref<!tpu.dma_semaphore, #tpu.memory_space<semaphore_mem>>) attributes {dimension_semantics = [#tpu.dimension_semantics<core_parallel>, #tpu.dimension_semantics<subcore_parallel>], iteration_bounds = array<i64: 2, 16>, scalar_prefetch = 0 : i64, scratch_operands = 16 : i64, tpu.core_type = #tpu.core_type<sc_vector_subcore>, window_params = [{transform_indices = #map}, {transform_indices = #map1}, {transform_indices = #map}]} {
    %mul3A = arith.constant 2 : i32
    %mul3A_0 = arith.muli %arg1, %mul3A : i32
    %add3A = arith.addi %mul3A_0, %arg0 : i32
    %mul3A_1 = arith.constant 10000 : i32
    %mul3A_2 = arith.muli %add3A, %mul3A_1 : i32
    %mul3A_3 = arith.constant 624 : i32
    %mul3A_4 = arith.muli %arg1, %mul3A_3 : i32
    %multiple_of3A = tpu.assume_multiple %mul3A_4, 8 : i32
    %multiple_of3A_5 = arith.constant 9984 : i32
    %multiple_of3A_6 = tpu.assume_multiple %multiple_of3A_5, 8 : i32
    %multiple_of3A_7 = tpu.assume_multiple %mul3A_2, 8 : i32
    %dma_start3A = arith.constant 0 : i32
    %dma_start3A_8 = tpu.memref_slice %arg5[%multiple_of3A, %dma_start3A] : memref<10000x128xf32, #tpu.memory_space<vmem_shared>> -> memref<624x128xf32, #tpu.memory_space<vmem_shared>>
    %dma_start3A_9 = arith.constant 0 : i32
    %dma_start3A_10 = tpu.memref_slice %arg2[%multiple_of3A, %dma_start3A_9] : memref<10000x128xf32, #tpu.memory_space<hbm>> -> memref<624x128xf32, #tpu.memory_space<hbm>>
    tpu.enqueue_dma source(%dma_start3A_10 : memref<624x128xf32, #tpu.memory_space<hbm>>) target(%dma_start3A_8 : memref<624x128xf32, #tpu.memory_space<vmem_shared>>) target_semaphore(%arg19 : memref<!tpu.dma_semaphore, #tpu.memory_space<semaphore_mem>>)
    %dma_start3A_11 = tpu.memref_slice %arg3[%multiple_of3A_7] : memref<320000xi32, #tpu.memory_space<hbm>> -> memref<10000xi32, #tpu.memory_space<hbm>>
    %dma_start3A_12 = tpu.memref_slice %arg3[%multiple_of3A_7] : memref<320000xi32, #tpu.memory_space<hbm>> -> memref<10000xi32, #tpu.memory_space<hbm>>
    tpu.enqueue_dma source(%dma_start3A_12 : memref<10000xi32, #tpu.memory_space<hbm>>) target(%arg6 : memref<10000xi32, #tpu.memory_space<vmem>>) target_semaphore(%arg20 : memref<!tpu.dma_semaphore, #tpu.memory_space<semaphore_mem>>)
    %eq3A = arith.constant 0 : i32
    %eq3A_13 = arith.cmpi eq, %arg1, %eq3A : i32
    %convert_element_type3A = arith.extui %eq3A_13 : i1 to i32
    %cond3A = arith.constant 0 : i32
    %cond3A_14 = arith.cmpi ne, %convert_element_type3A, %cond3A : i32
    scf.if %cond3A_14 {
      %dma_start3A_160 = arith.constant 0 : i32
      %dma_start3A_161 = tpu.memref_slice %arg5[%multiple_of3A_6, %dma_start3A_160] : memref<10000x128xf32, #tpu.memory_space<vmem_shared>> -> memref<16x128xf32, #tpu.memory_space<vmem_shared>>
      %dma_start3A_162 = arith.constant 0 : i32
      %dma_start3A_163 = tpu.memref_slice %arg2[%multiple_of3A_6, %dma_start3A_162] : memref<10000x128xf32, #tpu.memory_space<hbm>> -> memref<16x128xf32, #tpu.memory_space<hbm>>
      tpu.enqueue_dma source(%dma_start3A_163 : memref<16x128xf32, #tpu.memory_space<hbm>>) target(%dma_start3A_161 : memref<16x128xf32, #tpu.memory_space<vmem_shared>>) target_semaphore(%arg19 : memref<!tpu.dma_semaphore, #tpu.memory_space<semaphore_mem>>)
    } else {
    }
    %dma_wait3A = arith.constant 0 : i32
    %dma_wait3A_15 = tpu.memref_slice %arg5[%multiple_of3A, %dma_wait3A] : memref<10000x128xf32, #tpu.memory_space<vmem_shared>> -> memref<624x128xf32, #tpu.memory_space<vmem_shared>>
    %dma_wait3A_16 = arith.constant 0 : i32
    %dma_wait3A_17 = tpu.memref_slice %arg2[%multiple_of3A, %dma_wait3A_16] : memref<10000x128xf32, #tpu.memory_space<hbm>> -> memref<624x128xf32, #tpu.memory_space<hbm>>
    tpu.wait_dma2 semaphore(%arg19 : memref<!tpu.dma_semaphore, #tpu.memory_space<semaphore_mem>>) src(%dma_wait3A_17 : memref<624x128xf32, #tpu.memory_space<hbm>>) dst(%dma_wait3A_15 : memref<624x128xf32, #tpu.memory_space<vmem_shared>>)
    %dma_wait3A_18 = tpu.memref_slice %arg3[%multiple_of3A_7] : memref<320000xi32, #tpu.memory_space<hbm>> -> memref<10000xi32, #tpu.memory_space<hbm>>
    %dma_wait3A_19 = tpu.memref_slice %arg3[%multiple_of3A_7] : memref<320000xi32, #tpu.memory_space<hbm>> -> memref<10000xi32, #tpu.memory_space<hbm>>
    tpu.wait_dma2 semaphore(%arg20 : memref<!tpu.dma_semaphore, #tpu.memory_space<semaphore_mem>>) src(%dma_wait3A_19 : memref<10000xi32, #tpu.memory_space<hbm>>) dst(%arg6 : memref<10000xi32, #tpu.memory_space<vmem>>)
    %eq3A_20 = arith.constant 0 : i32
    %eq3A_21 = arith.cmpi eq, %arg1, %eq3A_20 : i32
    %convert_element_type3A_22 = arith.extui %eq3A_21 : i1 to i32
    %cond3A_23 = arith.constant 0 : i32
    %cond3A_24 = arith.cmpi ne, %convert_element_type3A_22, %cond3A_23 : i32
    scf.if %cond3A_24 {
      %dma_wait3A_160 = arith.constant 0 : i32
      %dma_wait3A_161 = tpu.memref_slice %arg5[%multiple_of3A_6, %dma_wait3A_160] : memref<10000x128xf32, #tpu.memory_space<vmem_shared>> -> memref<16x128xf32, #tpu.memory_space<vmem_shared>>
      %dma_wait3A_162 = arith.constant 0 : i32
      %dma_wait3A_163 = tpu.memref_slice %arg2[%multiple_of3A_6, %dma_wait3A_162] : memref<10000x128xf32, #tpu.memory_space<hbm>> -> memref<16x128xf32, #tpu.memory_space<hbm>>
      tpu.wait_dma2 semaphore(%arg19 : memref<!tpu.dma_semaphore, #tpu.memory_space<semaphore_mem>>) src(%dma_wait3A_163 : memref<16x128xf32, #tpu.memory_space<hbm>>) dst(%dma_wait3A_161 : memref<16x128xf32, #tpu.memory_space<vmem_shared>>)
    } else {
    }
    %barrier3A = arith.constant 0 : index
    tpu.barrier barrier_id(%barrier3A)
    %multiple_of3A_25 = arith.constant 0 : i32
    %multiple_of3A_26 = tpu.assume_multiple %multiple_of3A_25, 8 : i32
    %dma_start3A_27 = tpu.memref_slice %arg6[%multiple_of3A_26] : memref<10000xi32, #tpu.memory_space<vmem>> -> memref<80xi32, #tpu.memory_space<vmem>>
    %dma_start3A_28 = arith.constant 0 : i32
    %dma_start3A_29 = arith.constant 0 : i32
    %dma_start3A_30 = tpu.memref_slice %arg5[%dma_start3A_28, %dma_start3A_29] : memref<10000x128xf32, #tpu.memory_space<vmem_shared>> -> memref<10000x128xf32, #tpu.memory_space<vmem_shared>>
    tpu.enqueue_indirect_dma source(%dma_start3A_30 : memref<10000x128xf32, #tpu.memory_space<vmem_shared>>) target(%arg7 : memref<80x128xf32, #tpu.memory_space<vmem>>) offsets(%dma_start3A_27 : memref<80xi32, #tpu.memory_space<vmem>>) semaphore(%arg11 : memref<!tpu.dma_semaphore, #tpu.memory_space<semaphore_mem>>)
    %multiple_of3A_31 = arith.constant 80 : i32
    %multiple_of3A_32 = tpu.assume_multiple %multiple_of3A_31, 8 : i32
    %dma_start3A_33 = tpu.memref_slice %arg6[%multiple_of3A_32] : memref<10000xi32, #tpu.memory_space<vmem>> -> memref<80xi32, #tpu.memory_space<vmem>>
    %dma_start3A_34 = arith.constant 0 : i32
    %dma_start3A_35 = arith.constant 0 : i32
    %dma_start3A_36 = tpu.memref_slice %arg5[%dma_start3A_34, %dma_start3A_35] : memref<10000x128xf32, #tpu.memory_space<vmem_shared>> -> memref<10000x128xf32, #tpu.memory_space<vmem_shared>>
    tpu.enqueue_indirect_dma source(%dma_start3A_36 : memref<10000x128xf32, #tpu.memory_space<vmem_shared>>) target(%arg8 : memref<80x128xf32, #tpu.memory_space<vmem>>) offsets(%dma_start3A_33 : memref<80xi32, #tpu.memory_space<vmem>>) semaphore(%arg12 : memref<!tpu.dma_semaphore, #tpu.memory_space<semaphore_mem>>)
    %multiple_of3A_37 = arith.constant 160 : i32
    %multiple_of3A_38 = tpu.assume_multiple %multiple_of3A_37, 8 : i32
    %dma_start3A_39 = tpu.memref_slice %arg6[%multiple_of3A_38] : memref<10000xi32, #tpu.memory_space<vmem>> -> memref<80xi32, #tpu.memory_space<vmem>>
    %dma_start3A_40 = arith.constant 0 : i32
    %dma_start3A_41 = arith.constant 0 : i32
    %dma_start3A_42 = tpu.memref_slice %arg5[%dma_start3A_40, %dma_start3A_41] : memref<10000x128xf32, #tpu.memory_space<vmem_shared>> -> memref<10000x128xf32, #tpu.memory_space<vmem_shared>>
    tpu.enqueue_indirect_dma source(%dma_start3A_42 : memref<10000x128xf32, #tpu.memory_space<vmem_shared>>) target(%arg9 : memref<80x128xf32, #tpu.memory_space<vmem>>) offsets(%dma_start3A_39 : memref<80xi32, #tpu.memory_space<vmem>>) semaphore(%arg13 : memref<!tpu.dma_semaphore, #tpu.memory_space<semaphore_mem>>)
    %multiple_of3A_43 = arith.constant 240 : i32
    %multiple_of3A_44 = tpu.assume_multiple %multiple_of3A_43, 8 : i32
    %dma_start3A_45 = tpu.memref_slice %arg6[%multiple_of3A_44] : memref<10000xi32, #tpu.memory_space<vmem>> -> memref<80xi32, #tpu.memory_space<vmem>>
    %dma_start3A_46 = arith.constant 0 : i32
    %dma_start3A_47 = arith.constant 0 : i32
    %dma_start3A_48 = tpu.memref_slice %arg5[%dma_start3A_46, %dma_start3A_47] : memref<10000x128xf32, #tpu.memory_space<vmem_shared>> -> memref<10000x128xf32, #tpu.memory_space<vmem_shared>>
    tpu.enqueue_indirect_dma source(%dma_start3A_48 : memref<10000x128xf32, #tpu.memory_space<vmem_shared>>) target(%arg10 : memref<80x128xf32, #tpu.memory_space<vmem>>) offsets(%dma_start3A_45 : memref<80xi32, #tpu.memory_space<vmem>>) semaphore(%arg14 : memref<!tpu.dma_semaphore, #tpu.memory_space<semaphore_mem>>)
    %scan3A = arith.constant 0 : i32
    %scan3A_49 = arith.constant 0 : i32
    %scan3A_50 = arith.constant 30 : i32
    %scan3A_51 = arith.addi %scan3A_49, %scan3A_50 : i32
    %scan3A_52 = arith.constant 1 : i32
    scf.for %scan3A_160 = %scan3A_49 to %scan3A_51 step %scan3A_52  : i32 {
      %mul3A_161 = arith.constant 4 : i32
      %mul3A_162 = arith.muli %scan3A_160, %mul3A_161 : i32
      %add3A_163 = arith.constant 0 : i32
      %add3A_164 = arith.addi %mul3A_162, %add3A_163 : i32
      %mul3A_165 = arith.constant 80 : i32
      %mul3A_166 = arith.muli %add3A_164, %mul3A_165 : i32
      %multiple_of3A_167 = tpu.assume_multiple %mul3A_166, 8 : i32
      %dma_wait3A_168 = tpu.memref_slice %arg6[%multiple_of3A_167] : memref<10000xi32, #tpu.memory_space<vmem>> -> memref<80xi32, #tpu.memory_space<vmem>>
      %dma_wait3A_169 = arith.constant 0 : i32
      %dma_wait3A_170 = arith.constant 0 : i32
      %dma_wait3A_171 = tpu.memref_slice %arg5[%dma_wait3A_169, %dma_wait3A_170] : memref<10000x128xf32, #tpu.memory_space<vmem_shared>> -> memref<10000x128xf32, #tpu.memory_space<vmem_shared>>
      tpu.wait_indirect_dma semaphore(%arg11 : memref<!tpu.dma_semaphore, #tpu.memory_space<semaphore_mem>>) src(%dma_wait3A_171 : memref<10000x128xf32, #tpu.memory_space<vmem_shared>>) dst(%arg7 : memref<80x128xf32, #tpu.memory_space<vmem>>)
      %mul3A_172 = arith.constant 80 : i32
      %mul3A_173 = arith.muli %add3A_164, %mul3A_172 : i32
      %add3A_174 = arith.addi %mul3A_2, %mul3A_173 : i32
      %multiple_of3A_175 = tpu.assume_multiple %add3A_174, 8 : i32
      %dma_start3A_176 = arith.constant 0 : i32
      %dma_start3A_177 = tpu.memref_slice %arg4[%multiple_of3A_175, %dma_start3A_176] : memref<320000x128xf32, #tpu.memory_space<hbm>> -> memref<80x128xf32, #tpu.memory_space<hbm>>
      %dma_start3A_178 = arith.constant 0 : i32
      %dma_start3A_179 = tpu.memref_slice %arg4[%multiple_of3A_175, %dma_start3A_178] : memref<320000x128xf32, #tpu.memory_space<hbm>> -> memref<80x128xf32, #tpu.memory_space<hbm>>
      tpu.enqueue_dma source(%arg7 : memref<80x128xf32, #tpu.memory_space<vmem>>) target(%dma_start3A_179 : memref<80x128xf32, #tpu.memory_space<hbm>>) target_semaphore(%arg15 : memref<!tpu.dma_semaphore, #tpu.memory_space<semaphore_mem>>)
      %mul3A_180 = arith.constant 80 : i32
      %mul3A_181 = arith.muli %add3A_164, %mul3A_180 : i32
      %add3A_182 = arith.addi %mul3A_2, %mul3A_181 : i32
      %multiple_of3A_183 = tpu.assume_multiple %add3A_182, 8 : i32
      %dma_wait3A_184 = arith.constant 0 : i32
      %dma_wait3A_185 = tpu.memref_slice %arg4[%multiple_of3A_183, %dma_wait3A_184] : memref<320000x128xf32, #tpu.memory_space<hbm>> -> memref<80x128xf32, #tpu.memory_space<hbm>>
      %dma_wait3A_186 = arith.constant 0 : i32
      %dma_wait3A_187 = tpu.memref_slice %arg4[%multiple_of3A_183, %dma_wait3A_186] : memref<320000x128xf32, #tpu.memory_space<hbm>> -> memref<80x128xf32, #tpu.memory_space<hbm>>
      tpu.wait_dma2 semaphore(%arg15 : memref<!tpu.dma_semaphore, #tpu.memory_space<semaphore_mem>>) src(%arg7 : memref<80x128xf32, #tpu.memory_space<vmem>>) dst(%dma_wait3A_187 : memref<80x128xf32, #tpu.memory_space<hbm>>)
      %add3A_188 = arith.constant 4 : i32
      %add3A_189 = arith.addi %add3A_164, %add3A_188 : i32
      %mul3A_190 = arith.constant 80 : i32
      %mul3A_191 = arith.muli %add3A_189, %mul3A_190 : i32
      %multiple_of3A_192 = tpu.assume_multiple %mul3A_191, 8 : i32
      %dma_start3A_193 = tpu.memref_slice %arg6[%multiple_of3A_192] : memref<10000xi32, #tpu.memory_space<vmem>> -> memref<80xi32, #tpu.memory_space<vmem>>
      %dma_start3A_194 = arith.constant 0 : i32
      %dma_start3A_195 = arith.constant 0 : i32
      %dma_start3A_196 = tpu.memref_slice %arg5[%dma_start3A_194, %dma_start3A_195] : memref<10000x128xf32, #tpu.memory_space<vmem_shared>> -> memref<10000x128xf32, #tpu.memory_space<vmem_shared>>
      tpu.enqueue_indirect_dma source(%dma_start3A_196 : memref<10000x128xf32, #tpu.memory_space<vmem_shared>>) target(%arg7 : memref<80x128xf32, #tpu.memory_space<vmem>>) offsets(%dma_start3A_193 : memref<80xi32, #tpu.memory_space<vmem>>) semaphore(%arg11 : memref<!tpu.dma_semaphore, #tpu.memory_space<semaphore_mem>>)
      %mul3A_197 = arith.constant 4 : i32
      %mul3A_198 = arith.muli %scan3A_160, %mul3A_197 : i32
      %add3A_199 = arith.constant 1 : i32
      %add3A_200 = arith.addi %mul3A_198, %add3A_199 : i32
      %mul3A_201 = arith.constant 80 : i32
      %mul3A_202 = arith.muli %add3A_200, %mul3A_201 : i32
      %multiple_of3A_203 = tpu.assume_multiple %mul3A_202, 8 : i32
      %dma_wait3A_204 = tpu.memref_slice %arg6[%multiple_of3A_203] : memref<10000xi32, #tpu.memory_space<vmem>> -> memref<80xi32, #tpu.memory_space<vmem>>
      %dma_wait3A_205 = arith.constant 0 : i32
      %dma_wait3A_206 = arith.constant 0 : i32
      %dma_wait3A_207 = tpu.memref_slice %arg5[%dma_wait3A_205, %dma_wait3A_206] : memref<10000x128xf32, #tpu.memory_space<vmem_shared>> -> memref<10000x128xf32, #tpu.memory_space<vmem_shared>>
      tpu.wait_indirect_dma semaphore(%arg12 : memref<!tpu.dma_semaphore, #tpu.memory_space<semaphore_mem>>) src(%dma_wait3A_207 : memref<10000x128xf32, #tpu.memory_space<vmem_shared>>) dst(%arg8 : memref<80x128xf32, #tpu.memory_space<vmem>>)
      %mul3A_208 = arith.constant 80 : i32
      %mul3A_209 = arith.muli %add3A_200, %mul3A_208 : i32
      %add3A_210 = arith.addi %mul3A_2, %mul3A_209 : i32
      %multiple_of3A_211 = tpu.assume_multiple %add3A_210, 8 : i32
      %dma_start3A_212 = arith.constant 0 : i32
      %dma_start3A_213 = tpu.memref_slice %arg4[%multiple_of3A_211, %dma_start3A_212] : memref<320000x128xf32, #tpu.memory_space<hbm>> -> memref<80x128xf32, #tpu.memory_space<hbm>>
      %dma_start3A_214 = arith.constant 0 : i32
      %dma_start3A_215 = tpu.memref_slice %arg4[%multiple_of3A_211, %dma_start3A_214] : memref<320000x128xf32, #tpu.memory_space<hbm>> -> memref<80x128xf32, #tpu.memory_space<hbm>>
      tpu.enqueue_dma source(%arg8 : memref<80x128xf32, #tpu.memory_space<vmem>>) target(%dma_start3A_215 : memref<80x128xf32, #tpu.memory_space<hbm>>) target_semaphore(%arg16 : memref<!tpu.dma_semaphore, #tpu.memory_space<semaphore_mem>>)
      %mul3A_216 = arith.constant 80 : i32
      %mul3A_217 = arith.muli %add3A_200, %mul3A_216 : i32
      %add3A_218 = arith.addi %mul3A_2, %mul3A_217 : i32
      %multiple_of3A_219 = tpu.assume_multiple %add3A_218, 8 : i32
      %dma_wait3A_220 = arith.constant 0 : i32
      %dma_wait3A_221 = tpu.memref_slice %arg4[%multiple_of3A_219, %dma_wait3A_220] : memref<320000x128xf32, #tpu.memory_space<hbm>> -> memref<80x128xf32, #tpu.memory_space<hbm>>
      %dma_wait3A_222 = arith.constant 0 : i32
      %dma_wait3A_223 = tpu.memref_slice %arg4[%multiple_of3A_219, %dma_wait3A_222] : memref<320000x128xf32, #tpu.memory_space<hbm>> -> memref<80x128xf32, #tpu.memory_space<hbm>>
      tpu.wait_dma2 semaphore(%arg16 : memref<!tpu.dma_semaphore, #tpu.memory_space<semaphore_mem>>) src(%arg8 : memref<80x128xf32, #tpu.memory_space<vmem>>) dst(%dma_wait3A_223 : memref<80x128xf32, #tpu.memory_space<hbm>>)
      %add3A_224 = arith.constant 4 : i32
      %add3A_225 = arith.addi %add3A_200, %add3A_224 : i32
      %mul3A_226 = arith.constant 80 : i32
      %mul3A_227 = arith.muli %add3A_225, %mul3A_226 : i32
      %multiple_of3A_228 = tpu.assume_multiple %mul3A_227, 8 : i32
      %dma_start3A_229 = tpu.memref_slice %arg6[%multiple_of3A_228] : memref<10000xi32, #tpu.memory_space<vmem>> -> memref<80xi32, #tpu.memory_space<vmem>>
      %dma_start3A_230 = arith.constant 0 : i32
      %dma_start3A_231 = arith.constant 0 : i32
      %dma_start3A_232 = tpu.memref_slice %arg5[%dma_start3A_230, %dma_start3A_231] : memref<10000x128xf32, #tpu.memory_space<vmem_shared>> -> memref<10000x128xf32, #tpu.memory_space<vmem_shared>>
      tpu.enqueue_indirect_dma source(%dma_start3A_232 : memref<10000x128xf32, #tpu.memory_space<vmem_shared>>) target(%arg8 : memref<80x128xf32, #tpu.memory_space<vmem>>) offsets(%dma_start3A_229 : memref<80xi32, #tpu.memory_space<vmem>>) semaphore(%arg12 : memref<!tpu.dma_semaphore, #tpu.memory_space<semaphore_mem>>)
      %mul3A_233 = arith.constant 4 : i32
      %mul3A_234 = arith.muli %scan3A_160, %mul3A_233 : i32
      %add3A_235 = arith.constant 2 : i32
      %add3A_236 = arith.addi %mul3A_234, %add3A_235 : i32
      %mul3A_237 = arith.constant 80 : i32
      %mul3A_238 = arith.muli %add3A_236, %mul3A_237 : i32
      %multiple_of3A_239 = tpu.assume_multiple %mul3A_238, 8 : i32
      %dma_wait3A_240 = tpu.memref_slice %arg6[%multiple_of3A_239] : memref<10000xi32, #tpu.memory_space<vmem>> -> memref<80xi32, #tpu.memory_space<vmem>>
      %dma_wait3A_241 = arith.constant 0 : i32
      %dma_wait3A_242 = arith.constant 0 : i32
      %dma_wait3A_243 = tpu.memref_slice %arg5[%dma_wait3A_241, %dma_wait3A_242] : memref<10000x128xf32, #tpu.memory_space<vmem_shared>> -> memref<10000x128xf32, #tpu.memory_space<vmem_shared>>
      tpu.wait_indirect_dma semaphore(%arg13 : memref<!tpu.dma_semaphore, #tpu.memory_space<semaphore_mem>>) src(%dma_wait3A_243 : memref<10000x128xf32, #tpu.memory_space<vmem_shared>>) dst(%arg9 : memref<80x128xf32, #tpu.memory_space<vmem>>)
      %mul3A_244 = arith.constant 80 : i32
      %mul3A_245 = arith.muli %add3A_236, %mul3A_244 : i32
      %add3A_246 = arith.addi %mul3A_2, %mul3A_245 : i32
      %multiple_of3A_247 = tpu.assume_multiple %add3A_246, 8 : i32
      %dma_start3A_248 = arith.constant 0 : i32
      %dma_start3A_249 = tpu.memref_slice %arg4[%multiple_of3A_247, %dma_start3A_248] : memref<320000x128xf32, #tpu.memory_space<hbm>> -> memref<80x128xf32, #tpu.memory_space<hbm>>
      %dma_start3A_250 = arith.constant 0 : i32
      %dma_start3A_251 = tpu.memref_slice %arg4[%multiple_of3A_247, %dma_start3A_250] : memref<320000x128xf32, #tpu.memory_space<hbm>> -> memref<80x128xf32, #tpu.memory_space<hbm>>
      tpu.enqueue_dma source(%arg9 : memref<80x128xf32, #tpu.memory_space<vmem>>) target(%dma_start3A_251 : memref<80x128xf32, #tpu.memory_space<hbm>>) target_semaphore(%arg17 : memref<!tpu.dma_semaphore, #tpu.memory_space<semaphore_mem>>)
      %mul3A_252 = arith.constant 80 : i32
      %mul3A_253 = arith.muli %add3A_236, %mul3A_252 : i32
      %add3A_254 = arith.addi %mul3A_2, %mul3A_253 : i32
      %multiple_of3A_255 = tpu.assume_multiple %add3A_254, 8 : i32
      %dma_wait3A_256 = arith.constant 0 : i32
      %dma_wait3A_257 = tpu.memref_slice %arg4[%multiple_of3A_255, %dma_wait3A_256] : memref<320000x128xf32, #tpu.memory_space<hbm>> -> memref<80x128xf32, #tpu.memory_space<hbm>>
      %dma_wait3A_258 = arith.constant 0 : i32
      %dma_wait3A_259 = tpu.memref_slice %arg4[%multiple_of3A_255, %dma_wait3A_258] : memref<320000x128xf32, #tpu.memory_space<hbm>> -> memref<80x128xf32, #tpu.memory_space<hbm>>
      tpu.wait_dma2 semaphore(%arg17 : memref<!tpu.dma_semaphore, #tpu.memory_space<semaphore_mem>>) src(%arg9 : memref<80x128xf32, #tpu.memory_space<vmem>>) dst(%dma_wait3A_259 : memref<80x128xf32, #tpu.memory_space<hbm>>)
      %add3A_260 = arith.constant 4 : i32
      %add3A_261 = arith.addi %add3A_236, %add3A_260 : i32
      %mul3A_262 = arith.constant 80 : i32
      %mul3A_263 = arith.muli %add3A_261, %mul3A_262 : i32
      %multiple_of3A_264 = tpu.assume_multiple %mul3A_263, 8 : i32
      %dma_start3A_265 = tpu.memref_slice %arg6[%multiple_of3A_264] : memref<10000xi32, #tpu.memory_space<vmem>> -> memref<80xi32, #tpu.memory_space<vmem>>
      %dma_start3A_266 = arith.constant 0 : i32
      %dma_start3A_267 = arith.constant 0 : i32
      %dma_start3A_268 = tpu.memref_slice %arg5[%dma_start3A_266, %dma_start3A_267] : memref<10000x128xf32, #tpu.memory_space<vmem_shared>> -> memref<10000x128xf32, #tpu.memory_space<vmem_shared>>
      tpu.enqueue_indirect_dma source(%dma_start3A_268 : memref<10000x128xf32, #tpu.memory_space<vmem_shared>>) target(%arg9 : memref<80x128xf32, #tpu.memory_space<vmem>>) offsets(%dma_start3A_265 : memref<80xi32, #tpu.memory_space<vmem>>) semaphore(%arg13 : memref<!tpu.dma_semaphore, #tpu.memory_space<semaphore_mem>>)
      %mul3A_269 = arith.constant 4 : i32
      %mul3A_270 = arith.muli %scan3A_160, %mul3A_269 : i32
      %add3A_271 = arith.constant 3 : i32
      %add3A_272 = arith.addi %mul3A_270, %add3A_271 : i32
      %mul3A_273 = arith.constant 80 : i32
      %mul3A_274 = arith.muli %add3A_272, %mul3A_273 : i32
      %multiple_of3A_275 = tpu.assume_multiple %mul3A_274, 8 : i32
      %dma_wait3A_276 = tpu.memref_slice %arg6[%multiple_of3A_275] : memref<10000xi32, #tpu.memory_space<vmem>> -> memref<80xi32, #tpu.memory_space<vmem>>
      %dma_wait3A_277 = arith.constant 0 : i32
      %dma_wait3A_278 = arith.constant 0 : i32
      %dma_wait3A_279 = tpu.memref_slice %arg5[%dma_wait3A_277, %dma_wait3A_278] : memref<10000x128xf32, #tpu.memory_space<vmem_shared>> -> memref<10000x128xf32, #tpu.memory_space<vmem_shared>>
      tpu.wait_indirect_dma semaphore(%arg14 : memref<!tpu.dma_semaphore, #tpu.memory_space<semaphore_mem>>) src(%dma_wait3A_279 : memref<10000x128xf32, #tpu.memory_space<vmem_shared>>) dst(%arg10 : memref<80x128xf32, #tpu.memory_space<vmem>>)
      %mul3A_280 = arith.constant 80 : i32
      %mul3A_281 = arith.muli %add3A_272, %mul3A_280 : i32
      %add3A_282 = arith.addi %mul3A_2, %mul3A_281 : i32
      %multiple_of3A_283 = tpu.assume_multiple %add3A_282, 8 : i32
      %dma_start3A_284 = arith.constant 0 : i32
      %dma_start3A_285 = tpu.memref_slice %arg4[%multiple_of3A_283, %dma_start3A_284] : memref<320000x128xf32, #tpu.memory_space<hbm>> -> memref<80x128xf32, #tpu.memory_space<hbm>>
      %dma_start3A_286 = arith.constant 0 : i32
      %dma_start3A_287 = tpu.memref_slice %arg4[%multiple_of3A_283, %dma_start3A_286] : memref<320000x128xf32, #tpu.memory_space<hbm>> -> memref<80x128xf32, #tpu.memory_space<hbm>>
      tpu.enqueue_dma source(%arg10 : memref<80x128xf32, #tpu.memory_space<vmem>>) target(%dma_start3A_287 : memref<80x128xf32, #tpu.memory_space<hbm>>) target_semaphore(%arg18 : memref<!tpu.dma_semaphore, #tpu.memory_space<semaphore_mem>>)
      %mul3A_288 = arith.constant 80 : i32
      %mul3A_289 = arith.muli %add3A_272, %mul3A_288 : i32
      %add3A_290 = arith.addi %mul3A_2, %mul3A_289 : i32
      %multiple_of3A_291 = tpu.assume_multiple %add3A_290, 8 : i32
      %dma_wait3A_292 = arith.constant 0 : i32
      %dma_wait3A_293 = tpu.memref_slice %arg4[%multiple_of3A_291, %dma_wait3A_292] : memref<320000x128xf32, #tpu.memory_space<hbm>> -> memref<80x128xf32, #tpu.memory_space<hbm>>
      %dma_wait3A_294 = arith.constant 0 : i32
      %dma_wait3A_295 = tpu.memref_slice %arg4[%multiple_of3A_291, %dma_wait3A_294] : memref<320000x128xf32, #tpu.memory_space<hbm>> -> memref<80x128xf32, #tpu.memory_space<hbm>>
      tpu.wait_dma2 semaphore(%arg18 : memref<!tpu.dma_semaphore, #tpu.memory_space<semaphore_mem>>) src(%arg10 : memref<80x128xf32, #tpu.memory_space<vmem>>) dst(%dma_wait3A_295 : memref<80x128xf32, #tpu.memory_space<hbm>>)
      %add3A_296 = arith.constant 4 : i32
      %add3A_297 = arith.addi %add3A_272, %add3A_296 : i32
      %mul3A_298 = arith.constant 80 : i32
      %mul3A_299 = arith.muli %add3A_297, %mul3A_298 : i32
      %multiple_of3A_300 = tpu.assume_multiple %mul3A_299, 8 : i32
      %dma_start3A_301 = tpu.memref_slice %arg6[%multiple_of3A_300] : memref<10000xi32, #tpu.memory_space<vmem>> -> memref<80xi32, #tpu.memory_space<vmem>>
      %dma_start3A_302 = arith.constant 0 : i32
      %dma_start3A_303 = arith.constant 0 : i32
      %dma_start3A_304 = tpu.memref_slice %arg5[%dma_start3A_302, %dma_start3A_303] : memref<10000x128xf32, #tpu.memory_space<vmem_shared>> -> memref<10000x128xf32, #tpu.memory_space<vmem_shared>>
      tpu.enqueue_indirect_dma source(%dma_start3A_304 : memref<10000x128xf32, #tpu.memory_space<vmem_shared>>) target(%arg10 : memref<80x128xf32, #tpu.memory_space<vmem>>) offsets(%dma_start3A_301 : memref<80xi32, #tpu.memory_space<vmem>>) semaphore(%arg14 : memref<!tpu.dma_semaphore, #tpu.memory_space<semaphore_mem>>)
    }
    %scan3A_53 = arith.constant 30 : i32
    %multiple_of3A_54 = arith.constant 9600 : i32
    %multiple_of3A_55 = tpu.assume_multiple %multiple_of3A_54, 8 : i32
    %dma_wait3A_56 = tpu.memref_slice %arg6[%multiple_of3A_55] : memref<10000xi32, #tpu.memory_space<vmem>> -> memref<80xi32, #tpu.memory_space<vmem>>
    %dma_wait3A_57 = arith.constant 0 : i32
    %dma_wait3A_58 = arith.constant 0 : i32
    %dma_wait3A_59 = tpu.memref_slice %arg5[%dma_wait3A_57, %dma_wait3A_58] : memref<10000x128xf32, #tpu.memory_space<vmem_shared>> -> memref<10000x128xf32, #tpu.memory_space<vmem_shared>>
    tpu.wait_indirect_dma semaphore(%arg11 : memref<!tpu.dma_semaphore, #tpu.memory_space<semaphore_mem>>) src(%dma_wait3A_59 : memref<10000x128xf32, #tpu.memory_space<vmem_shared>>) dst(%arg7 : memref<80x128xf32, #tpu.memory_space<vmem>>)
    %add3A_60 = arith.constant 9600 : i32
    %add3A_61 = arith.addi %mul3A_2, %add3A_60 : i32
    %multiple_of3A_62 = tpu.assume_multiple %add3A_61, 8 : i32
    %dma_start3A_63 = arith.constant 0 : i32
    %dma_start3A_64 = tpu.memref_slice %arg4[%multiple_of3A_62, %dma_start3A_63] : memref<320000x128xf32, #tpu.memory_space<hbm>> -> memref<80x128xf32, #tpu.memory_space<hbm>>
    %dma_start3A_65 = arith.constant 0 : i32
    %dma_start3A_66 = tpu.memref_slice %arg4[%multiple_of3A_62, %dma_start3A_65] : memref<320000x128xf32, #tpu.memory_space<hbm>> -> memref<80x128xf32, #tpu.memory_space<hbm>>
    tpu.enqueue_dma source(%arg7 : memref<80x128xf32, #tpu.memory_space<vmem>>) target(%dma_start3A_66 : memref<80x128xf32, #tpu.memory_space<hbm>>) target_semaphore(%arg15 : memref<!tpu.dma_semaphore, #tpu.memory_space<semaphore_mem>>)
    %add3A_67 = arith.constant 9600 : i32
    %add3A_68 = arith.addi %mul3A_2, %add3A_67 : i32
    %multiple_of3A_69 = tpu.assume_multiple %add3A_68, 8 : i32
    %dma_wait3A_70 = arith.constant 0 : i32
    %dma_wait3A_71 = tpu.memref_slice %arg4[%multiple_of3A_69, %dma_wait3A_70] : memref<320000x128xf32, #tpu.memory_space<hbm>> -> memref<80x128xf32, #tpu.memory_space<hbm>>
    %dma_wait3A_72 = arith.constant 0 : i32
    %dma_wait3A_73 = tpu.memref_slice %arg4[%multiple_of3A_69, %dma_wait3A_72] : memref<320000x128xf32, #tpu.memory_space<hbm>> -> memref<80x128xf32, #tpu.memory_space<hbm>>
    tpu.wait_dma2 semaphore(%arg15 : memref<!tpu.dma_semaphore, #tpu.memory_space<semaphore_mem>>) src(%arg7 : memref<80x128xf32, #tpu.memory_space<vmem>>) dst(%dma_wait3A_73 : memref<80x128xf32, #tpu.memory_space<hbm>>)
    %multiple_of3A_74 = arith.constant 9920 : i32
    %multiple_of3A_75 = tpu.assume_multiple %multiple_of3A_74, 8 : i32
    %dma_start3A_76 = tpu.memref_slice %arg6[%multiple_of3A_75] : memref<10000xi32, #tpu.memory_space<vmem>> -> memref<80xi32, #tpu.memory_space<vmem>>
    %dma_start3A_77 = arith.constant 0 : i32
    %dma_start3A_78 = arith.constant 0 : i32
    %dma_start3A_79 = tpu.memref_slice %arg5[%dma_start3A_77, %dma_start3A_78] : memref<10000x128xf32, #tpu.memory_space<vmem_shared>> -> memref<10000x128xf32, #tpu.memory_space<vmem_shared>>
    tpu.enqueue_indirect_dma source(%dma_start3A_79 : memref<10000x128xf32, #tpu.memory_space<vmem_shared>>) target(%arg7 : memref<80x128xf32, #tpu.memory_space<vmem>>) offsets(%dma_start3A_76 : memref<80xi32, #tpu.memory_space<vmem>>) semaphore(%arg11 : memref<!tpu.dma_semaphore, #tpu.memory_space<semaphore_mem>>)
    %multiple_of3A_80 = arith.constant 9680 : i32
    %multiple_of3A_81 = tpu.assume_multiple %multiple_of3A_80, 8 : i32
    %dma_wait3A_82 = tpu.memref_slice %arg6[%multiple_of3A_81] : memref<10000xi32, #tpu.memory_space<vmem>> -> memref<80xi32, #tpu.memory_space<vmem>>
    %dma_wait3A_83 = arith.constant 0 : i32
    %dma_wait3A_84 = arith.constant 0 : i32
    %dma_wait3A_85 = tpu.memref_slice %arg5[%dma_wait3A_83, %dma_wait3A_84] : memref<10000x128xf32, #tpu.memory_space<vmem_shared>> -> memref<10000x128xf32, #tpu.memory_space<vmem_shared>>
    tpu.wait_indirect_dma semaphore(%arg12 : memref<!tpu.dma_semaphore, #tpu.memory_space<semaphore_mem>>) src(%dma_wait3A_85 : memref<10000x128xf32, #tpu.memory_space<vmem_shared>>) dst(%arg8 : memref<80x128xf32, #tpu.memory_space<vmem>>)
    %add3A_86 = arith.constant 9680 : i32
    %add3A_87 = arith.addi %mul3A_2, %add3A_86 : i32
    %multiple_of3A_88 = tpu.assume_multiple %add3A_87, 8 : i32
    %dma_start3A_89 = arith.constant 0 : i32
    %dma_start3A_90 = tpu.memref_slice %arg4[%multiple_of3A_88, %dma_start3A_89] : memref<320000x128xf32, #tpu.memory_space<hbm>> -> memref<80x128xf32, #tpu.memory_space<hbm>>
    %dma_start3A_91 = arith.constant 0 : i32
    %dma_start3A_92 = tpu.memref_slice %arg4[%multiple_of3A_88, %dma_start3A_91] : memref<320000x128xf32, #tpu.memory_space<hbm>> -> memref<80x128xf32, #tpu.memory_space<hbm>>
    tpu.enqueue_dma source(%arg8 : memref<80x128xf32, #tpu.memory_space<vmem>>) target(%dma_start3A_92 : memref<80x128xf32, #tpu.memory_space<hbm>>) target_semaphore(%arg16 : memref<!tpu.dma_semaphore, #tpu.memory_space<semaphore_mem>>)
    %add3A_93 = arith.constant 9680 : i32
    %add3A_94 = arith.addi %mul3A_2, %add3A_93 : i32
    %multiple_of3A_95 = tpu.assume_multiple %add3A_94, 8 : i32
    %dma_wait3A_96 = arith.constant 0 : i32
    %dma_wait3A_97 = tpu.memref_slice %arg4[%multiple_of3A_95, %dma_wait3A_96] : memref<320000x128xf32, #tpu.memory_space<hbm>> -> memref<80x128xf32, #tpu.memory_space<hbm>>
    %dma_wait3A_98 = arith.constant 0 : i32
    %dma_wait3A_99 = tpu.memref_slice %arg4[%multiple_of3A_95, %dma_wait3A_98] : memref<320000x128xf32, #tpu.memory_space<hbm>> -> memref<80x128xf32, #tpu.memory_space<hbm>>
    tpu.wait_dma2 semaphore(%arg16 : memref<!tpu.dma_semaphore, #tpu.memory_space<semaphore_mem>>) src(%arg8 : memref<80x128xf32, #tpu.memory_space<vmem>>) dst(%dma_wait3A_99 : memref<80x128xf32, #tpu.memory_space<hbm>>)
    %multiple_of3A_100 = arith.constant 9760 : i32
    %multiple_of3A_101 = tpu.assume_multiple %multiple_of3A_100, 8 : i32
    %dma_wait3A_102 = tpu.memref_slice %arg6[%multiple_of3A_101] : memref<10000xi32, #tpu.memory_space<vmem>> -> memref<80xi32, #tpu.memory_space<vmem>>
    %dma_wait3A_103 = arith.constant 0 : i32
    %dma_wait3A_104 = arith.constant 0 : i32
    %dma_wait3A_105 = tpu.memref_slice %arg5[%dma_wait3A_103, %dma_wait3A_104] : memref<10000x128xf32, #tpu.memory_space<vmem_shared>> -> memref<10000x128xf32, #tpu.memory_space<vmem_shared>>
    tpu.wait_indirect_dma semaphore(%arg13 : memref<!tpu.dma_semaphore, #tpu.memory_space<semaphore_mem>>) src(%dma_wait3A_105 : memref<10000x128xf32, #tpu.memory_space<vmem_shared>>) dst(%arg9 : memref<80x128xf32, #tpu.memory_space<vmem>>)
    %add3A_106 = arith.constant 9760 : i32
    %add3A_107 = arith.addi %mul3A_2, %add3A_106 : i32
    %multiple_of3A_108 = tpu.assume_multiple %add3A_107, 8 : i32
    %dma_start3A_109 = arith.constant 0 : i32
    %dma_start3A_110 = tpu.memref_slice %arg4[%multiple_of3A_108, %dma_start3A_109] : memref<320000x128xf32, #tpu.memory_space<hbm>> -> memref<80x128xf32, #tpu.memory_space<hbm>>
    %dma_start3A_111 = arith.constant 0 : i32
    %dma_start3A_112 = tpu.memref_slice %arg4[%multiple_of3A_108, %dma_start3A_111] : memref<320000x128xf32, #tpu.memory_space<hbm>> -> memref<80x128xf32, #tpu.memory_space<hbm>>
    tpu.enqueue_dma source(%arg9 : memref<80x128xf32, #tpu.memory_space<vmem>>) target(%dma_start3A_112 : memref<80x128xf32, #tpu.memory_space<hbm>>) target_semaphore(%arg17 : memref<!tpu.dma_semaphore, #tpu.memory_space<semaphore_mem>>)
    %add3A_113 = arith.constant 9760 : i32
    %add3A_114 = arith.addi %mul3A_2, %add3A_113 : i32
    %multiple_of3A_115 = tpu.assume_multiple %add3A_114, 8 : i32
    %dma_wait3A_116 = arith.constant 0 : i32
    %dma_wait3A_117 = tpu.memref_slice %arg4[%multiple_of3A_115, %dma_wait3A_116] : memref<320000x128xf32, #tpu.memory_space<hbm>> -> memref<80x128xf32, #tpu.memory_space<hbm>>
    %dma_wait3A_118 = arith.constant 0 : i32
    %dma_wait3A_119 = tpu.memref_slice %arg4[%multiple_of3A_115, %dma_wait3A_118] : memref<320000x128xf32, #tpu.memory_space<hbm>> -> memref<80x128xf32, #tpu.memory_space<hbm>>
    tpu.wait_dma2 semaphore(%arg17 : memref<!tpu.dma_semaphore, #tpu.memory_space<semaphore_mem>>) src(%arg9 : memref<80x128xf32, #tpu.memory_space<vmem>>) dst(%dma_wait3A_119 : memref<80x128xf32, #tpu.memory_space<hbm>>)
    %multiple_of3A_120 = arith.constant 9840 : i32
    %multiple_of3A_121 = tpu.assume_multiple %multiple_of3A_120, 8 : i32
    %dma_wait3A_122 = tpu.memref_slice %arg6[%multiple_of3A_121] : memref<10000xi32, #tpu.memory_space<vmem>> -> memref<80xi32, #tpu.memory_space<vmem>>
    %dma_wait3A_123 = arith.constant 0 : i32
    %dma_wait3A_124 = arith.constant 0 : i32
    %dma_wait3A_125 = tpu.memref_slice %arg5[%dma_wait3A_123, %dma_wait3A_124] : memref<10000x128xf32, #tpu.memory_space<vmem_shared>> -> memref<10000x128xf32, #tpu.memory_space<vmem_shared>>
    tpu.wait_indirect_dma semaphore(%arg14 : memref<!tpu.dma_semaphore, #tpu.memory_space<semaphore_mem>>) src(%dma_wait3A_125 : memref<10000x128xf32, #tpu.memory_space<vmem_shared>>) dst(%arg10 : memref<80x128xf32, #tpu.memory_space<vmem>>)
    %add3A_126 = arith.constant 9840 : i32
    %add3A_127 = arith.addi %mul3A_2, %add3A_126 : i32
    %multiple_of3A_128 = tpu.assume_multiple %add3A_127, 8 : i32
    %dma_start3A_129 = arith.constant 0 : i32
    %dma_start3A_130 = tpu.memref_slice %arg4[%multiple_of3A_128, %dma_start3A_129] : memref<320000x128xf32, #tpu.memory_space<hbm>> -> memref<80x128xf32, #tpu.memory_space<hbm>>
    %dma_start3A_131 = arith.constant 0 : i32
    %dma_start3A_132 = tpu.memref_slice %arg4[%multiple_of3A_128, %dma_start3A_131] : memref<320000x128xf32, #tpu.memory_space<hbm>> -> memref<80x128xf32, #tpu.memory_space<hbm>>
    tpu.enqueue_dma source(%arg10 : memref<80x128xf32, #tpu.memory_space<vmem>>) target(%dma_start3A_132 : memref<80x128xf32, #tpu.memory_space<hbm>>) target_semaphore(%arg18 : memref<!tpu.dma_semaphore, #tpu.memory_space<semaphore_mem>>)
    %add3A_133 = arith.constant 9840 : i32
    %add3A_134 = arith.addi %mul3A_2, %add3A_133 : i32
    %multiple_of3A_135 = tpu.assume_multiple %add3A_134, 8 : i32
    %dma_wait3A_136 = arith.constant 0 : i32
    %dma_wait3A_137 = tpu.memref_slice %arg4[%multiple_of3A_135, %dma_wait3A_136] : memref<320000x128xf32, #tpu.memory_space<hbm>> -> memref<80x128xf32, #tpu.memory_space<hbm>>
    %dma_wait3A_138 = arith.constant 0 : i32
    %dma_wait3A_139 = tpu.memref_slice %arg4[%multiple_of3A_135, %dma_wait3A_138] : memref<320000x128xf32, #tpu.memory_space<hbm>> -> memref<80x128xf32, #tpu.memory_space<hbm>>
    tpu.wait_dma2 semaphore(%arg18 : memref<!tpu.dma_semaphore, #tpu.memory_space<semaphore_mem>>) src(%arg10 : memref<80x128xf32, #tpu.memory_space<vmem>>) dst(%dma_wait3A_139 : memref<80x128xf32, #tpu.memory_space<hbm>>)
    %multiple_of3A_140 = arith.constant 9920 : i32
    %multiple_of3A_141 = tpu.assume_multiple %multiple_of3A_140, 8 : i32
    %dma_wait3A_142 = tpu.memref_slice %arg6[%multiple_of3A_141] : memref<10000xi32, #tpu.memory_space<vmem>> -> memref<80xi32, #tpu.memory_space<vmem>>
    %dma_wait3A_143 = arith.constant 0 : i32
    %dma_wait3A_144 = arith.constant 0 : i32
    %dma_wait3A_145 = tpu.memref_slice %arg5[%dma_wait3A_143, %dma_wait3A_144] : memref<10000x128xf32, #tpu.memory_space<vmem_shared>> -> memref<10000x128xf32, #tpu.memory_space<vmem_shared>>
    tpu.wait_indirect_dma semaphore(%arg11 : memref<!tpu.dma_semaphore, #tpu.memory_space<semaphore_mem>>) src(%dma_wait3A_145 : memref<10000x128xf32, #tpu.memory_space<vmem_shared>>) dst(%arg7 : memref<80x128xf32, #tpu.memory_space<vmem>>)
    %add3A_146 = arith.constant 9920 : i32
    %add3A_147 = arith.addi %mul3A_2, %add3A_146 : i32
    %multiple_of3A_148 = tpu.assume_multiple %add3A_147, 8 : i32
    %dma_start3A_149 = arith.constant 0 : i32
    %dma_start3A_150 = tpu.memref_slice %arg4[%multiple_of3A_148, %dma_start3A_149] : memref<320000x128xf32, #tpu.memory_space<hbm>> -> memref<80x128xf32, #tpu.memory_space<hbm>>
    %dma_start3A_151 = arith.constant 0 : i32
    %dma_start3A_152 = tpu.memref_slice %arg4[%multiple_of3A_148, %dma_start3A_151] : memref<320000x128xf32, #tpu.memory_space<hbm>> -> memref<80x128xf32, #tpu.memory_space<hbm>>
    tpu.enqueue_dma source(%arg7 : memref<80x128xf32, #tpu.memory_space<vmem>>) target(%dma_start3A_152 : memref<80x128xf32, #tpu.memory_space<hbm>>) target_semaphore(%arg15 : memref<!tpu.dma_semaphore, #tpu.memory_space<semaphore_mem>>)
    %add3A_153 = arith.constant 9920 : i32
    %add3A_154 = arith.addi %mul3A_2, %add3A_153 : i32
    %multiple_of3A_155 = tpu.assume_multiple %add3A_154, 8 : i32
    %dma_wait3A_156 = arith.constant 0 : i32
    %dma_wait3A_157 = tpu.memref_slice %arg4[%multiple_of3A_155, %dma_wait3A_156] : memref<320000x128xf32, #tpu.memory_space<hbm>> -> memref<80x128xf32, #tpu.memory_space<hbm>>
    %dma_wait3A_158 = arith.constant 0 : i32
    %dma_wait3A_159 = tpu.memref_slice %arg4[%multiple_of3A_155, %dma_wait3A_158] : memref<320000x128xf32, #tpu.memory_space<hbm>> -> memref<80x128xf32, #tpu.memory_space<hbm>>
    tpu.wait_dma2 semaphore(%arg15 : memref<!tpu.dma_semaphore, #tpu.memory_space<semaphore_mem>>) src(%arg7 : memref<80x128xf32, #tpu.memory_space<vmem>>) dst(%dma_wait3A_159 : memref<80x128xf32, #tpu.memory_space<hbm>>)
    return
  }
}

</mosaic_0001>

<sc_bundles>
// kernel: kernel.3.cloned.1.call-start
scs
__scs_entry_jumppad:
0x0: {  	(pc) =	sbr.rel $0x88, $3  }
0x1: {  	(tag) =	ssettag $0x0;
	lr =	simm.s32 $0x1  }
0x2: {  	[smem:$0x3F9F] =	sst lr;
	_ =	strace $0xD0000000  }
0x3: {  	_ = 	snop  }
0x4: {  	_ = 	snop  }
0x5: {  	_ = 	snop  }
0x6: {  	_ = 	snop  }
0x7: {  	_ = 	snop  }
__scs_overlays_trampoline_lowered:
0x8: {  	[smem:$0x3FAE] =	sst s0  }
0x9: {  	[smem:$0x3FAF] =	sst s1  }
0xa: {  	[smem:$0x3FB0] =	sst s2  }
0xb: {  	[smem:$0x3FB1] =	sst s3  }
0xc: {  	[smem:$0x3FB2] =	sst s4  }
0xd: {  	[smem:$0x3FB3] =	sst s5  }
0xe: {  	[smem:$0x3FB4] =	sst s6  }
0xf: {  	[smem:$0x3FB5] =	sst s7  }
0x10: {  	[smem:$0x3FB6] =	sst s8  }
0x11: {  	[smem:$0x3FB7] =	sst s9;
	s0 =	simm.s32 @!p0 $0x0  }
0x12: {  	s1 =	sld [smem:$0x3F9D];
	s0 =	simm.s32 @p0 $0x1  }
0x13: {  	[smem:$0x3FB8] =	sst s0;
	s0 =	simm.s32 @!p1 $0x0  }
0x14: {  	s2 =	sld [smem:$0x3F9C];
	s0 =	simm.s32 @p1 $0x1  }
0x15: {  	[smem:$0x3FB9] =	sst s0;
	s0 =	simm.s32 @!p2 $0x0  }
0x16: {  	s3 =	sld [smem:$0x3FDB];
	s0 =	simm.s32 @p2 $0x1  }
0x17: {  	s4 =	simm.s32 $0x1BF5;
	[smem:$0x3FBB] =	sst s0  }
0x18: {  	s0 =	sld [smem:$0x3F9E];
	_ =	swait.ge [sflag:s4], $0x0  }
0x19: {  	s7 =	sld [smem:$0x3F9F]  }
0x1a: {  	s8 =	sadd.s32 $0xFFFFE003, lr  }
0x1b: {  	s9 =	sadd.s32 $0xFFFFFEF7, lr;
	s5 =	simm.s32 $0xFFFFFFFF;
	p2 =	slt.u32 s8, $0xFFFFF086  }
0x1c: {  	p1 =	slt.u32 s9, $0xF7A;
	s5 =	simm.s32 @!p2 $0x0  }
0x1d: {  	s5 =	simm.s32 @p1 $0x1;
	p0 =	seq.s32 s7, s2  }
0x1e: {  	s7 =	smul.u32 @!p0 $0xF7A, s2;
	p2 =	seq.s32 @!p0 s5, $0x0  }
0x1f: {  	s9 =	smul.u32 $0xF7A, s1;
	s8 =	simm.s32 @!p0 $0x1BF5;
	p2 =	por !p2, p0  }
0x20: {  	[sflag:s8] =	ssyncset.s32 @!p0 $0xFFFFF086;
	s6 =	sadd.s32 @!p0 s3, s7;
	s7 =	simm.s32 @!p0 $0x108  }
0x21: {  	s3 =	sadd.s32 s3, s9;
	s6 =	sadd.s32 @!p0 $0x88, s6;
	s7 =	simm.s32 @p2 $0x1082  }
0x22: {  	[simem:s7], [sflag:s8] =	dma.local @!p0 [hbm:s6], $0xF7A  }
0x23: {  	s9 =	sor.u32 $0xD0000000, s2;
	s6 =	simm.s32 $0x108;
	_ =	swait.ge @!p0 [sflag:s8], $0x0  }
0x24: {  	s3 =	sadd.s32 $0x88, s3;
	s6 =	simm.s32 @!p1 $0x1082;
	[sflag:s4] =	ssyncset.s32 $0xFFFFF086  }
0x25: {  	[simem:s6], [sflag:s4] =	dma.local [hbm:s3], $0xF7A  }
0x26: {  	[smem:$0x3F9F] =	sst s1;
	(tag) =	ssettag s2;
	_ =	strace s9  }
0x27: {  	s1 =	sld [smem:$0x3FAF]  }
0x28: {  	s2 =	sld [smem:$0x3FB0]  }
0x29: {  	s4 =	sld [smem:$0x3FB2]  }
0x2a: {  	p0 =	seq.s32 s5, $0x0;
	s5 =	sld [smem:$0x3FB3]  }
0x2b: {  	s6 =	sld [smem:$0x3FB4]  }
0x2c: {  	s7 =	sld [smem:$0x3FB5]  }
0x2d: {  	s3 =	simm.s32 $0x108;
	s8 =	sld [smem:$0x3FB6]  }
0x2e: {  	s3 =	simm.s32 @!p0 $0x1082;
	s9 =	sld [smem:$0x3FB7]  }
0x2f: {  	lr =	sadd.s32 s0, s3;
	s0 =	sld [smem:$0x3FAE]  }
0x30: {  	s3 =	sld [smem:$0x3FB1]  }
0x31: {  	[smem:$0x3FBA] =	sst s10  }
0x32: {  	s10 =	sld [smem:$0x3FB8];
	_ =	sdelay $0x3  }
0x33: {  	p0 =	seq.s32 s10, $0x1;
	s10 =	sld [smem:$0x3FBA];
	_ =	sdelay $0x3  }
0x34: {  	[smem:$0x3FBA] =	sst s10  }
0x35: {  	s10 =	sld [smem:$0x3FB9];
	_ =	sdelay $0x3  }
0x36: {  	p1 =	seq.s32 s10, $0x1;
	s10 =	sld [smem:$0x3FBA];
	_ =	sdelay $0x3  }
0x37: {  	[smem:$0x3FBA] =	sst s10  }
0x38: {  	s10 =	sld [smem:$0x3FBB]  }
0x39: {  	_ = 	snop;
	(pc) =	sbr.ind lr, $3  }
0x3a: {  	_ = 	snop  }
0x3b: {  	_ = 	snop  }
0x3c: {  	p2 =	seq.s32 s10, $0x1;
	s10 =	sld [smem:$0x3FBA]  }
0x3d: {  	_ =	shalt  }
0x3e: {  	_ =	shalt  }
0x3f: {  	_ =	shalt  }
0x40: {  	_ =	shalt  }
0x41: {  	_ =	shalt  }
0x42: {  	_ =	shalt  }
0x43: {  	_ =	shalt  }
0x44: {  	_ =	shalt  }
0x45: {  	_ =	shalt  }
0x46: {  	_ =	shalt  }
0x47: {  	_ =	shalt  }
0x48: {  	_ =	shalt  }
0x49: {  	_ =	shalt  }
0x4a: {  	_ =	shalt  }
0x4b: {  	_ =	shalt  }
0x4c: {  	_ =	shalt  }
0x4d: {  	_ =	shalt  }
0x4e: {  	_ =	shalt  }
0x4f: {  	_ =	shalt  }
0x50: {  	_ =	shalt  }
0x51: {  	_ =	shalt  }
0x52: {  	_ =	shalt  }
0x53: {  	_ =	shalt  }
0x54: {  	_ =	shalt  }
0x55: {  	_ =	shalt  }
0x56: {  	_ =	shalt  }
0x57: {  	_ =	shalt  }
0x58: {  	_ =	shalt  }
0x59: {  	_ =	shalt  }
0x5a: {  	_ =	shalt  }
0x5b: {  	_ =	shalt  }
0x5c: {  	_ =	shalt  }
0x5d: {  	_ =	shalt  }
0x5e: {  	_ =	shalt  }
0x5f: {  	_ =	shalt  }
0x60: {  	_ =	shalt  }
0x61: {  	_ =	shalt  }
0x62: {  	_ =	shalt  }
0x63: {  	_ =	shalt  }
0x64: {  	_ =	shalt  }
0x65: {  	_ =	shalt  }
0x66: {  	_ =	shalt  }
0x67: {  	_ =	shalt  }
0x68: {  	_ =	shalt  }
0x69: {  	_ =	shalt  }
0x6a: {  	_ =	shalt  }
0x6b: {  	_ =	shalt  }
0x6c: {  	_ =	shalt  }
0x6d: {  	_ =	shalt  }
0x6e: {  	_ =	shalt  }
0x6f: {  	_ =	shalt  }
0x70: {  	_ =	shalt  }
0x71: {  	_ =	shalt  }
0x72: {  	_ =	shalt  }
0x73: {  	_ =	shalt  }
0x74: {  	_ =	shalt  }
0x75: {  	_ =	shalt  }
0x76: {  	_ =	shalt  }
0x77: {  	_ =	shalt  }
0x78: {  	_ =	shalt  }
0x79: {  	_ =	shalt  }
0x7a: {  	_ =	shalt  }
0x7b: {  	_ =	shalt  }
0x7c: {  	_ =	shalt  }
0x7d: {  	_ =	shalt  }
0x7e: {  	_ =	shalt  }
0x7f: {  	_ =	shalt  }
0x80: {  	_ =	shalt  }
0x81: {  	_ =	shalt  }
0x82: {  	_ =	shalt  }
0x83: {  	_ =	shalt  }
0x84: {  	_ =	shalt  }
0x85: {  	_ =	shalt  }
0x86: {  	_ =	shalt  }
0x87: {  	_ =	shalt  }
.Lfunc_end0:
.L_simem_size_0:
called_computation_lowered:
.L_overlay_start_0:
0x88: {  	s2 =	sld [smem:$0x3FD9]  }
0x89: {  	s3 =	sld [smem:$0x3FFE];
	_ =	sdelay $0x1  }
0x8a: {  	s1 =	srdreg.scid  }
0x8b: {  	s0 =	sand.u32 $0x1, s1  }
0x8c: {  	s18 =	sshll.u32 s0, $0xA;
	s2 =	sadd.s32 s3, s2  }
0x8d: {  	s2 =	sadd.s32 s2, s18  }
0x8e: {  	[smem:$0x3FC6] =	sst s2  }
0x8f: {  	_ = 	snop  }
0x90: {  	s2 =	sld [smem:$0x3FC9]  }
0x91: {  	s19 =	sld [smem:$0x3FC8]  }
0x92: {  	s4 =	sld [smem:$0x3FD0];
	(tm) =	ssettm $0x1  }
0x93: {  	s5 =	sld [smem:$0x3FFB];
	_ =	sdelay $0x3  }
0x94: {  	_ =	strace s5  }
0x95: {  	s5 =	sld [smem:$0x3FFC];
	_ =	sdelay $0x3  }
0x96: {  	_ =	strace s5  }
0x97: {  	s5 =	sld [smem:$0x3FFD];
	_ =	sdelay $0x3  }
0x98: {  	_ =	strace s5  }
0x99: {  	_ =	strace $0x8FFFFFFF  }
0x9a: {  	s20 =	sld [smem:$0x3FDB];
	_ =	sdelay $0x1  }
0x9b: {  	s6 =	simm.s32 $_scs_section_size  }
0x9c: {  	s7 =	simm.s32 $_size__tile_overlayer_lowered;
	s8 =	simm.s32 $_tile_overlayer_lowered  }
0x9d: {  	s23 =	simm.s32 $0x1BFF;
	s22 =	sshll.u32 s8, $0x1;
	s5 =	sadd.s32 s6, s20  }
0x9e: {  	s9 =	simm.s32 $0x0;
	s21 =	sshll.u32 s7, $0x1;
	s7 =	sadd.s32 s22, s5  }
0x9f: {  	[timem:s9], [sflag:s23] =	dma.local [hbm:s7], s21  }
0xa0: {  	_ =	swait.ge [sflag:s23], s21  }
0xa1: {  	s6 =	ssub.s32 $0x0, s21;
	[sflag:s23] =	ssyncset.done $0x0  }
0xa2: {  	[sflag:s23] =	ssyncadd.s32 s6;
	_ =	sdelay $0x1  }
0xa3: {  	s24 =	simm.s32 $0x1B8B  }
0xa4: {  	_ =	swait.ge [sflag:s24], $0x1  }
0xa5: {  	[sflag:s24] =	ssyncset.done $0x0  }
0xa6: {  	s25 =	simm.s32 $0x1B8E;
	[sflag:s24] =	ssyncadd.s32 $0xFFFFFFFF  }
0xa7: {  	s26 =	simm.s32 $execute0_lowered;
	[smem:$0x3FD2] =	sst s25  }
0xa8: {  	s6 =	sshll.u32 s26, $0x1;
	_ =	strace $0x80000046;
	[dreg:$0x1] =	wrdreg $0xFFFFFFFF  }
0xa9: {  	s28 =	simm.s32 $_size_execute0_lowered;
	s5 =	sadd.s32 s5, s6;
	[dreg:$0x0] =	wrdreg $0x0  }
0xaa: {  	s6 =	sshll.u32 s28, $0x1;
	[dreg:$0x2] =	wrdreg s5  }
0xab: {  	[dreg:$0x3] =	wrdreg s6  }
0xac: {  	[dreg:$0x4] =	wrdreg $0xC0  }
0xad: {  	_ =	task [dreg:s9], $0x5FFFF  }
0xae: {  	[dreg:$0x1] =	wrdreg $0xFFFFFFFF  }
0xaf: {  	[dreg:$0x0] =	wrdreg $0x60  }
0xb0: {  	[dreg:$0x2] =	wrdreg s2  }
0xb1: {  	[dreg:$0x3] =	wrdreg s19  }
0xb2: {  	[dreg:$0x4] =	wrdreg s4  }
0xb3: {  	[dreg:$0x5] =	wrdreg $0x0  }
0xb4: {  	[dreg:$0x6] =	wrdreg $0x9  }
0xb5: {  	_ =	task.clear_ibuf [dreg:s9], $0x7FFFF;
	_ =	strace $0x90000046  }
0xb6: {  	s29 =	simm.s32 $0x9;
	_ =	strace $0x80000048  }
0xb7: {  	_ =	swait.ge [sflag:s29], $0x1  }
0xb8: {  	[sflag:s29] =	ssyncadd.s32 $0xFFFFFFFF  }
0xb9: {  	_ =	strace $0x90000048  }
0xba: {  	_ =	sfence  }
0xbb: {  	s30 =	sld [smem:$0x0];
	_ =	sdelay $0x2  }
0xbc: {  	s31 =	sshll.u32 s1, $0xD;
	s1 =	sshrl.u32 s1, $0x2  }
0xbd: {  	s3 =	sand.u32 $0x4000, s31;
	s1 =	sadd.s32 s1, s30  }
0xbe: {  	s0 =	sor.u32 s3, s0;
	s1 =	sshll.u32 s1, $0x11  }
0xbf: {  	s0 =	sor.u32 s1, s0  }
0xc0: {  	s0 =	sadd.s32 $0x8F2B, s0  }
0xc1: {  	[sflag:s0] =	ssyncadd.remote.s32 $0x1  }
0xc2: {  	_ =	sfence.sel $0xFFFF  }
0xc3: {  	[dreg:$0x0] =	wrdreg $0xFFFFFFFF;
	(pc) =	sbr.abs _section_cstart, $3  }
0xc4: {  	[dreg:$0x1] =	wrdreg $0xFFFFFFFF  }
0xc5: {  	_ =	task.clear_ibuf [dreg:s9], $0x2FFFF;
	_ =	strace $0x9FFFFFFF  }
0xc6: {  	(tm) =	ssettm $0x7FFFFFFF  }
0xc7: {  	_ =	shalt  }
tec
execute0_lowered:
.L_overlay_start_1:
0x0: {  	(tag) =	ssettag $0x1  }
0x1: {  	s0 =	rddreg [dreg:$0x0]  }
0x2: {  	s3 =	rddreg [dreg:$0x1]  }
0x3: {  	s5 =	rddreg [dreg:$0x2]  }
0x4: {  	s1 =	rddreg [dreg:$0x3];
	s4 =	srdreg.scid  }
0x5: {  	s14 =	stileid.u32;
	s2 =	simm.s32 $0x0;
	s17 =	simm.s32 $0x50  }
0x6: {  	s18 =	simm.s32 $0x16000;
	s28 =	simm.s32 $0x2;
	s29 =	simm.s32 $0x6  }
0x7: {  	s30 =	simm.s32 $0x3;
	s31 =	simm.s32 $0x7;
	s8 =	sand.u32 $0x1, s4  }
0x8: {  	s19 =	sshll.u32 s14, $0x1;
	[smem:$0x7FF] =	sst s2;
	s6 =	smul.u32 $0x4E000, s14  }
0x9: {  	s11 =	smul.u32 $0x2700, s14;
	s22 =	sshll.u32 s14, $0x6;
	s16 =	sadd.s32 $0x138000, s1  }
0xa: {  	s25 =	smul.u32 $0x4E200, s14;
	p0 =	sne.s32 s14, $0x0;
	s4 =	sor.u32 s8, s19  }
0xb: {  	_ =	strace $0x80000047;
	s7 =	ssub.s32 $0x2, s8;
	s26 =	smul.u32 $0x27100, s8  }
0xc: {  	s16 =	sshrl.u32 @!p0 s16, $0x3;
	s19 =	simm.s32 $0x8;
	s9 =	smul.u32 $0x2710, s4  }
0xd: {  	s10 =	sshrl.u32 s7, $0x1;
	s6 =	sshrl.u32 s6, $0x2;
	s20 =	smul.u32 $0x138800, s4  }
0xe: {  	s21 =	sadd.s32 s0, s11;
	s4 =	sor.u32 $0x1C09, s22;
	s0 =	sadd.s32 $0x27000, s0  }
0xf: {  	s22 =	simm.s32 $0x1B000;
	s12 =	ssub.s32 s7, s10;
	[dreg:$0x5] =	wrdreg s21  }
0x10: {  	s15 =	sadd.s32 s6, s1;
	[dreg:$0x7] =	wrdreg s0;
	s23 =	sshrl.u32 s9, $0x3  }
0x11: {  	s24 =	sshrl.u32 s20, $0x3;
	s12 =	smax.u32 s12, $0x1;
	s14 =	sshrl.u32 s15, $0x3  }
0x12: {  	s15 =	simm.s32 $0x13880;
	s20 =	simm.s32 $0x18800;
	s3 =	sadd.s32 s3, s23  }
0x13: {  	s23 =	simm.s32 $0x0;
	[dreg:$0x6] =	wrdreg s3;
	s3 =	sadd.s32 s5, s24  }
0x14: {  	s5 =	sadd.s32 s25, s5;
	s24 =	simm.s32 $0x1D800;
	s25 =	simm.s32 $0x1  }
0x15: {  	s7 =	sadd.s32 $0x25800, s3;
	s8 =	sadd.s32 $0x25D00, s3;
	s9 =	sadd.s32 $0x26200, s3  }
0x16: {  	s10 =	sadd.s32 $0x26700, s3;
	s11 =	sadd.s32 $0x26C00, s3;
	s0 =	sadd.s32 s26, s5  }
0x17: {  	s26 =	simm.s32 $0x5;
	s13 =	sadd.s32 $0xF00, s0;
	s0 =	simm.s32 $0x4  }
.LBB2_1:
0x18: {  	s3 =	rddreg [dreg:$0x5]  }
0x19: {  	[spmem:s14], [sflag:s4] =	dma.local [hbm:s3], $0x2700  }
0x1a: {  	s3 =	rddreg [dreg:$0x6]  }
0x1b: {  	[tilespmem:s15], [sflag:$0xA] =	stream.linear.gather [hbm4b:s3+s2], $0x2710, $0x38;
	v63 =	vld [tilespmem:$0x0]  }
0x1c: {  	s3 =	simm.s32 @p0 $0x9  }
0x1d: {  	_ =	swait.ge @p0 [sflag:s3], $0x2700  }
0x1e: {  	[sflag:s3] =	ssyncset.done @p0 $0x0  }
0x1f: {  	[sflag:s3] =	ssyncadd.s32 @p0 $0xFFFFD900;
	s3 =	simm.s32 @p0 $0xA  }
0x20: {  	_ =	swait.ge @p0 [sflag:s3], $0x2710  }
0x21: {  	[sflag:s3] =	ssyncset.done @p0 $0x0  }
0x22: {  	[sflag:s3] =	ssyncadd.s32 @p0 $0xFFFFD8F0;
	s3 =	rddreg [dreg:$0x7]  }
0x23: {  	[spmem:s16], [sflag:s4] =	dma.local @!p0 [hbm:s3], $0x100  }
0x24: {  	s3 =	simm.s32 @!p0 $0x9  }
0x25: {  	_ =	swait.ge @!p0 [sflag:s3], $0x2700  }
0x26: {  	[sflag:s3] =	ssyncset.done @!p0 $0x0  }
0x27: {  	s5 =	simm.s32 @!p0 $0xA;
	[sflag:s3] =	ssyncadd.s32 @!p0 $0xFFFFD900  }
0x28: {  	_ =	swait.ge @!p0 [sflag:s5], $0x2710  }
0x29: {  	[sflag:s5] =	ssyncset.done @!p0 $0x0  }
0x2a: {  	[sflag:s5] =	ssyncadd.s32 @!p0 $0xFFFFD8F0  }
0x2b: {  	_ =	swait.ge @!p0 [sflag:s3], $0x100  }
0x2c: {  	[sflag:s3] =	ssyncset.done @!p0 $0x0  }
0x2d: {  	[sflag:s3] =	ssyncadd.s32 @!p0 $0xFFFFFF00  }
0x2e: {  	[bflag:$0x0] =	sbarrier.arrive $0xFFFF  }
0x2f: {  	[tilespmem:s18], [sflag:$0x1] =	stream.indirect.gather [spmem:s1], $0x80, s15, s17, $0xb8;
	v63 =	vld [tilespmem:$0x0]  }
0x30: {  	s5 =	simm.s32 $0x138D0  }
0x31: {  	[tilespmem:s20], [sflag:$0x2] =	stream.indirect.gather [spmem:s1], $0x80, s5, s17, $0xb8;
	v63 =	vld [tilespmem:$0x0]  }
0x32: {  	s6 =	simm.s32 $0x13920  }
0x33: {  	[tilespmem:s22], [sflag:$0x3] =	stream.indirect.gather [spmem:s1], $0x80, s6, s17, $0xb8;
	v63 =	vld [tilespmem:$0x0]  }
0x34: {  	s21 =	simm.s32 $0x13970  }
0x35: {  	[tilespmem:s24], [sflag:$0x4] =	stream.indirect.gather [spmem:s1], $0x80, s21, s17, $0xb8;
	v63 =	vld [tilespmem:$0x0]  }
0x36: {  	_ =	swait.ge [sflag:s25], $0x2800  }
0x37: {  	[sflag:s25] =	ssyncset.done $0x0  }
0x38: {  	s5 =	sadd.s32 $0xFFFFF100, s13;
	[sflag:s25] =	ssyncadd.s32 $0xFFFFD800  }
0x39: {  	[hbm4b:s5+s2] =	stream.linear.scatter [tilespmem:s18], [sflag:$0x5], $0x2800, $0x38;
	v63 =	vld [tilespmem:$0x0]  }
0x3a: {  	_ =	swait.ge [sflag:s26], $0x2800  }
0x3b: {  	[sflag:s26] =	ssyncset.done $0x0  }
0x3c: {  	s6 =	simm.s32 $0x139C0;
	[sflag:s26] =	ssyncadd.s32 $0xFFFFD800  }
0x3d: {  	[tilespmem:s18], [sflag:$0x1] =	stream.indirect.gather [spmem:s1], $0x80, s6, s17, $0xb8;
	v63 =	vld [tilespmem:$0x0]  }
0x3e: {  	_ =	swait.ge [sflag:s28], $0x2800  }
0x3f: {  	[sflag:s28] =	ssyncset.done $0x0  }
0x40: {  	s21 =	sadd.s32 $0xFFFFF600, s13;
	[sflag:s28] =	ssyncadd.s32 $0xFFFFD800  }
0x41: {  	[hbm4b:s21+s2] =	stream.linear.scatter [tilespmem:s20], [sflag:$0x6], $0x2800, $0x38;
	v63 =	vld [tilespmem:$0x0]  }
0x42: {  	_ =	swait.ge [sflag:s29], $0x2800  }
0x43: {  	[sflag:s29] =	ssyncset.done $0x0  }
0x44: {  	s5 =	simm.s32 $0x13A10;
	[sflag:s29] =	ssyncadd.s32 $0xFFFFD800  }
0x45: {  	[tilespmem:s20], [sflag:$0x2] =	stream.indirect.gather [spmem:s1], $0x80, s5, s17, $0xb8;
	v63 =	vld [tilespmem:$0x0]  }
0x46: {  	_ =	swait.ge [sflag:s30], $0x2800  }
0x47: {  	[sflag:s30] =	ssyncset.done $0x0  }
0x48: {  	s6 =	sadd.s32 $0xFFFFFB00, s13;
	[sflag:s30] =	ssyncadd.s32 $0xFFFFD800  }
0x49: {  	[hbm4b:s6+s2] =	stream.linear.scatter [tilespmem:s22], [sflag:$0x7], $0x2800, $0x38;
	v63 =	vld [tilespmem:$0x0]  }
0x4a: {  	_ =	swait.ge [sflag:s31], $0x2800  }
0x4b: {  	[sflag:s31] =	ssyncset.done $0x0  }
0x4c: {  	s21 =	simm.s32 $0x13A60;
	[sflag:s31] =	ssyncadd.s32 $0xFFFFD800  }
0x4d: {  	[tilespmem:s22], [sflag:$0x3] =	stream.indirect.gather [spmem:s1], $0x80, s21, s17, $0xb8;
	v63 =	vld [tilespmem:$0x0]  }
0x4e: {  	_ =	swait.ge [sflag:s0], $0x2800  }
0x4f: {  	[sflag:s0] =	ssyncset.done $0x0  }
0x50: {  	[sflag:s0] =	ssyncadd.s32 $0xFFFFD800  }
0x51: {  	[hbm4b:s13+s2] =	stream.linear.scatter [tilespmem:s24], [sflag:$0x8], $0x2800, $0x38;
	v63 =	vld [tilespmem:$0x0]  }
0x52: {  	_ =	swait.ge [sflag:s19], $0x2800  }
0x53: {  	s3 =	sadd.s32 $0x1400, s13;
	[sflag:s19] =	ssyncset.done $0x0  }
0x54: {  	s5 =	simm.s32 $0x13AB0;
	s21 =	simm.s32 $0x500;
	[sflag:s19] =	ssyncadd.s32 $0xFFFFD800  }
.LBB2_2:
0x55: {  	[tilespmem:s24], [sflag:$0x4] =	stream.indirect.gather [spmem:s1], $0x80, s5, s17, $0xb8;
	v63 =	vld [tilespmem:$0x0]  }
0x56: {  	s5 =	smov.u32 s21  }
0x57: {  	p1 =	sne.s32 s21, $0x9100;
	s21 =	sadd.s32 $0x500, s21;
	_ =	swait.ge [sflag:s25], $0x2800  }
0x58: {  	[sflag:s25] =	ssyncset.done $0x0  }
0x59: {  	s6 =	sadd.s32 $0xFFFFF100, s3;
	[sflag:s25] =	ssyncadd.s32 $0xFFFFD800  }
0x5a: {  	[hbm4b:s6+s2] =	stream.linear.scatter [tilespmem:s18], [sflag:$0x5], $0x2800, $0x38;
	v63 =	vld [tilespmem:$0x0]  }
0x5b: {  	_ =	swait.ge [sflag:s26], $0x2800  }
0x5c: {  	s5 =	sshra.s32 s5, $0x2;
	[sflag:s26] =	ssyncset.done $0x0  }
0x5d: {  	s6 =	sadd.s32 $0x139C0, s5;
	[sflag:s26] =	ssyncadd.s32 $0xFFFFD800  }
0x5e: {  	[tilespmem:s18], [sflag:$0x1] =	stream.indirect.gather [spmem:s1], $0x80, s6, s17, $0xb8;
	v63 =	vld [tilespmem:$0x0]  }
0x5f: {  	_ =	swait.ge [sflag:s28], $0x2800  }
0x60: {  	[sflag:s28] =	ssyncset.done $0x0  }
0x61: {  	s6 =	sadd.s32 $0xFFFFF600, s3;
	[sflag:s28] =	ssyncadd.s32 $0xFFFFD800  }
0x62: {  	[hbm4b:s6+s2] =	stream.linear.scatter [tilespmem:s20], [sflag:$0x6], $0x2800, $0x38;
	v63 =	vld [tilespmem:$0x0]  }
0x63: {  	_ =	swait.ge [sflag:s29], $0x2800  }
0x64: {  	[sflag:s29] =	ssyncset.done $0x0  }
0x65: {  	s6 =	sadd.s32 $0x13A10, s5;
	[sflag:s29] =	ssyncadd.s32 $0xFFFFD800  }
0x66: {  	[tilespmem:s20], [sflag:$0x2] =	stream.indirect.gather [spmem:s1], $0x80, s6, s17, $0xb8;
	v63 =	vld [tilespmem:$0x0]  }
0x67: {  	_ =	swait.ge [sflag:s30], $0x2800  }
0x68: {  	[sflag:s30] =	ssyncset.done $0x0  }
0x69: {  	s6 =	sadd.s32 $0xFFFFFB00, s3;
	[sflag:s30] =	ssyncadd.s32 $0xFFFFD800  }
0x6a: {  	[hbm4b:s6+s2] =	stream.linear.scatter [tilespmem:s22], [sflag:$0x7], $0x2800, $0x38;
	v63 =	vld [tilespmem:$0x0]  }
0x6b: {  	_ =	swait.ge [sflag:s31], $0x2800  }
0x6c: {  	[sflag:s31] =	ssyncset.done $0x0  }
0x6d: {  	s6 =	sadd.s32 $0x13A60, s5;
	[sflag:s31] =	ssyncadd.s32 $0xFFFFD800  }
0x6e: {  	[tilespmem:s22], [sflag:$0x3] =	stream.indirect.gather [spmem:s1], $0x80, s6, s17, $0xb8;
	v63 =	vld [tilespmem:$0x0]  }
0x6f: {  	_ =	swait.ge [sflag:s0], $0x2800  }
0x70: {  	[sflag:s0] =	ssyncset.done $0x0  }
.Ltmp0:
0x71: {  	[sflag:s0] =	ssyncadd.s32 $0xFFFFD800;
	(pc) =	sbr.rel @p1 .LBB2_2-.Ltmp0, $4  }
0x72: {  	[hbm4b:s3+s2] =	stream.linear.scatter [tilespmem:s24], [sflag:$0x8], $0x2800, $0x38;
	v63 =	vld [tilespmem:$0x0]  }
0x73: {  	_ =	swait.ge [sflag:s19], $0x2800  }
0x74: {  	[sflag:s19] =	ssyncset.done $0x0  }
0x75: {  	s5 =	sadd.s32 $0x13AB0, s5;
	s3 =	sadd.s32 $0x1400, s3;
	[sflag:s19] =	ssyncadd.s32 $0xFFFFD800  }
0x76: {  	[tilespmem:s24], [sflag:$0x4] =	stream.indirect.gather [spmem:s1], $0x80, s5, s17, $0xb8;
	v63 =	vld [tilespmem:$0x0]  }
0x77: {  	_ =	swait.ge [sflag:s25], $0x2800  }
0x78: {  	[sflag:s25] =	ssyncset.done $0x0  }
0x79: {  	[sflag:s25] =	ssyncadd.s32 $0xFFFFD800  }
0x7a: {  	[hbm4b:s7+s2] =	stream.linear.scatter [tilespmem:s18], [sflag:$0x5], $0x2800, $0x38;
	v63 =	vld [tilespmem:$0x0]  }
0x7b: {  	_ =	swait.ge [sflag:s26], $0x2800  }
0x7c: {  	[sflag:s26] =	ssyncset.done $0x0  }
0x7d: {  	s3 =	simm.s32 $0x15F40;
	[sflag:s26] =	ssyncadd.s32 $0xFFFFD800  }
0x7e: {  	[tilespmem:s18], [sflag:$0x1] =	stream.indirect.gather [spmem:s1], $0x80, s3, s17, $0xb8;
	v63 =	vld [tilespmem:$0x0]  }
0x7f: {  	_ =	swait.ge [sflag:s28], $0x2800  }
0x80: {  	[sflag:s28] =	ssyncset.done $0x0  }
0x81: {  	[sflag:s28] =	ssyncadd.s32 $0xFFFFD800  }
0x82: {  	[hbm4b:s8+s2] =	stream.linear.scatter [tilespmem:s20], [sflag:$0x6], $0x2800, $0x38;
	v63 =	vld [tilespmem:$0x0]  }
0x83: {  	_ =	swait.ge [sflag:s29], $0x2800  }
0x84: {  	[sflag:s29] =	ssyncset.done $0x0  }
0x85: {  	[sflag:s29] =	ssyncadd.s32 $0xFFFFD800  }
0x86: {  	_ =	swait.ge [sflag:s30], $0x2800  }
0x87: {  	[sflag:s30] =	ssyncset.done $0x0  }
0x88: {  	[sflag:s30] =	ssyncadd.s32 $0xFFFFD800  }
0x89: {  	[hbm4b:s9+s2] =	stream.linear.scatter [tilespmem:s22], [sflag:$0x7], $0x2800, $0x38;
	v63 =	vld [tilespmem:$0x0]  }
0x8a: {  	_ =	swait.ge [sflag:s31], $0x2800  }
0x8b: {  	[sflag:s31] =	ssyncset.done $0x0  }
0x8c: {  	[sflag:s31] =	ssyncadd.s32 $0xFFFFD800  }
0x8d: {  	_ =	swait.ge [sflag:s0], $0x2800  }
0x8e: {  	[sflag:s0] =	ssyncset.done $0x0  }
0x8f: {  	[sflag:s0] =	ssyncadd.s32 $0xFFFFD800  }
0x90: {  	[hbm4b:s10+s2] =	stream.linear.scatter [tilespmem:s24], [sflag:$0x8], $0x2800, $0x38;
	v63 =	vld [tilespmem:$0x0]  }
0x91: {  	_ =	swait.ge [sflag:s19], $0x2800  }
0x92: {  	[sflag:s19] =	ssyncset.done $0x0  }
0x93: {  	[sflag:s19] =	ssyncadd.s32 $0xFFFFD800  }
0x94: {  	s23 =	sadd.s32 $0x1, s23;
	_ =	swait.ge [sflag:s25], $0x2800  }
0x95: {  	p1 =	sne.s32 s23, s12;
	[sflag:s25] =	ssyncset.done $0x0  }
.Ltmp1:
0x96: {  	[sflag:s25] =	ssyncadd.s32 $0xFFFFD800;
	(pc) =	sbr.rel @p1 .LBB2_1-.Ltmp1, $4  }
0x97: {  	[hbm4b:s11+s2] =	stream.linear.scatter [tilespmem:s18], [sflag:$0x5], $0x2800, $0x38;
	v63 =	vld [tilespmem:$0x0]  }
0x98: {  	_ =	swait.ge [sflag:s26], $0x2800  }
0x99: {  	[sflag:s26] =	ssyncset.done $0x0  }
0x9a: {  	[sflag:s26] =	ssyncadd.s32 $0xFFFFD800  }
0x9b: {  	_ =	sfence.sel $0x180000  }
0x9c: {  	[bflag:$0x0] =	sbarrier.arrive $0xFFFF  }
0x9d: {  	_ =	strace $0x90000047  }
0x9e: {  	[bflag:$0x2] =	sbarrier.arrive $0xFFFF  }
0x9f: {  	s0 =	rddreg [dreg:$0x4]  }
0xa0: {  	s0 =	sadd.s32 @!p0 $0x100000, s0  }
0xa1: {  	[sflag:s0] =	ssyncadd.tile.s32 @!p0 $0x1;
	_ =	shalt  }
.Lfunc_end2:
_tile_overlayer_lowered:
.L_overlay_start_2:
0xa2: {  	(tag) =	ssettag $0x2  }
0xa3: {  	s0 =	rddreg [dreg:$0x0];
	s2 =	stileid.u32  }
0xa4: {  	s1 =	rddreg [dreg:$0x1];
	p0 =	sne.s32 s2, $0x0  }
0xa5: {  	s3 =	rddreg [dreg:$0x2];
	[bflag:$0x3] =	sbarrier.arrive $0xFFFF;
	s2 =	simm.s32 @!p0 $0x1C0B  }
0xa6: {  	[timem:s3], [sflag:s2] =	dma.local @!p0 [hbm:s0], s1  }
0xa7: {  	s0 =	simm.s32 @!p0 $0xB  }
0xa8: {  	_ =	swait.ge @!p0 [sflag:s0], s1  }
0xa9: {  	s1 =	ssub.s32 @!p0 $0x0, s1;
	[sflag:s0] =	ssyncset.done @!p0 $0x0  }
0xaa: {  	[sflag:s0] =	ssyncadd.s32 @!p0 s1  }
0xab: {  	[bflag:$0x3] =	sbarrier.arrive $0xFFFF  }
0xac: {  	_ =	shalt  }

</sc_bundles>
